<compile_context>
chip_gen: v7x
topology: tpu7x:2x2x1
jax: 0.10.2.dev20260603
libtpu: 0.0.44.dev20260713+nightly
codegen_flags: <defaults>
</compile_context>

<pallas_src>
import functools

import jax
import jax.numpy as jnp
from jax.experimental import pallas as pl


def _abig_kernel(ei_ref, abig_ref, *, G, J, Eper, H):
    R = G * J
    RP = -(-R // 128) * 128
    f32 = jnp.float32
    row_node = jax.lax.broadcasted_iota(jnp.int32, (R, Eper), 0) % J
    src = ei_ref[0:1, :]
    dst = ei_ref[1:2, :]
    src_oh = (row_node == src).astype(f32)
    dst_oh = (row_node == dst).astype(f32)
    tiledA = jax.lax.dot_general(
        dst_oh, src_oh, (((1,), (1,)), ((), ())),
        preferred_element_type=f32)
    ri = jax.lax.broadcasted_iota(jnp.int32, (R, R), 0)
    ci = jax.lax.broadcasted_iota(jnp.int32, (R, R), 1)
    same_graph = (ri // J) == (ci // J)
    Abig = jnp.where(same_graph, tiledA, 0.0) + (ri == ci).astype(f32)
    Apad = jnp.pad(Abig, ((0, 0), (0, RP - R)))
    abig_ref[...] = jnp.concatenate([Apad] * H, axis=1)


def _gat_kernel(x_ref, abig_ref, w_ref, acat_ref, bias_ref, out_ref, *, G, J, H, C):
    D = H * C
    R = G * J
    RP = -(-R // 128) * 128
    f32 = jnp.float32

    x2 = x_ref[...].reshape(R, D)
    h = jnp.dot(x2, w_ref[...], preferred_element_type=f32)
    a = jnp.dot(h, acat_ref[...], preferred_element_type=f32)
    l2e = 1.4426950408889634
    a1 = a * l2e
    a2 = a * (0.2 * l2e)
    a1p = jnp.pad(a1, ((0, RP - R), (0, 0)))
    a2p = jnp.pad(a2, ((0, RP - R), (0, 0)))

    ones = jnp.ones((R, 1), dtype=f32)
    onesp = jnp.ones((RP, 1), dtype=f32)
    outs = []
    for hh in range(H):
        lhs1 = jnp.concatenate([a1[:, H + hh:H + hh + 1], ones], axis=1)
        rhs1 = jnp.concatenate([onesp, a1p[:, hh:hh + 1]], axis=1)
        b1 = jax.lax.dot_general(
            lhs1, rhs1, (((1,), (1,)), ((), ())),
            preferred_element_type=f32)
        lhs2 = jnp.concatenate([a2[:, H + hh:H + hh + 1], ones], axis=1)
        rhs2 = jnp.concatenate([onesp, a2p[:, hh:hh + 1]], axis=1)
        b2 = jax.lax.dot_general(
            lhs2, rhs2, (((1,), (1,)), ((), ())),
            preferred_element_type=f32)
        w = jnp.exp2(jnp.maximum(b1, b2)) * abig_ref[:, RP * hh:RP * hh + RP]
        denom = jnp.sum(w, axis=1, keepdims=True)
        out_h = jax.lax.dot_general(
            w[:, :R], h[:, hh * C:(hh + 1) * C],
            (((1,), (0,)), ((), ())),
            preferred_element_type=f32)
        outs.append(out_h / (denom + 1e-16))
    out = jnp.concatenate(outs, axis=-1)
    out = out + bias_ref[...]
    out_ref[...] = out.reshape(G, J, D)


@jax.jit
def kernel(x, edge_index, W, att_src, att_dst, bias):
    b, t, j, d = x.shape
    BT = b * t
    H = att_src.shape[1]
    C = att_src.shape[2]
    Eper = edge_index.shape[1]
    G = 20
    R = G * j
    RP = -(-R // 128) * 128

    x3 = x.reshape(BT, j, d)
    eyeH = jnp.eye(H, dtype=jnp.float32)
    asrc_mat = (att_src.reshape(H, C)[:, :, None] * eyeH[:, None, :]).reshape(d, H)
    adst_mat = (att_dst.reshape(H, C)[:, :, None] * eyeH[:, None, :]).reshape(d, H)
    acat = jnp.concatenate([asrc_mat, adst_mat], axis=1)
    bias2 = bias.reshape(1, d)

    abig = pl.pallas_call(
        functools.partial(_abig_kernel, G=G, J=j, Eper=Eper, H=H),
        grid=(1,),
        in_specs=[pl.BlockSpec((2, Eper), lambda i: (0, 0))],
        out_specs=pl.BlockSpec((R, RP * H), lambda i: (0, 0)),
        out_shape=jax.ShapeDtypeStruct((R, RP * H), jnp.float32),
    )(edge_index)

    grid = (BT // G,)
    out = pl.pallas_call(
        functools.partial(_gat_kernel, G=G, J=j, H=H, C=C),
        grid=grid,
        in_specs=[
            pl.BlockSpec((G, j, d), lambda i: (i, 0, 0)),
            pl.BlockSpec((R, RP * H), lambda i: (0, 0)),
            pl.BlockSpec((d, d), lambda i: (0, 0)),
            pl.BlockSpec((d, 2 * H), lambda i: (0, 0)),
            pl.BlockSpec((1, d), lambda i: (0, 0)),
        ],
        out_specs=pl.BlockSpec((G, j, d), lambda i: (i, 0, 0)),
        out_shape=jax.ShapeDtypeStruct((BT, j, d), jnp.float32),
    )(x3, abig, W, acat, bias2)
    return out.reshape(b, t, j, d)

# --- scband reference (transcript-rebuilt; emitter-appended) ---
"""Pipeline reference for scband-py-ggraph-layer-14053132993205 (READ-ONLY COPY).

The authoritative reference and input builder live on the scoring server;
editing this copy changes nothing except your own understanding.
"""

import jax, jax.numpy as jnp
import numpy as np

B, T, J, D, H, E = 64, 100, 25, 128, 4, 50
C = D // H

def setup_inputs(seed: int = 0):
    key = jax.random.key(seed)
    k = jax.random.split(key, 6)
    x = jax.random.normal(k[0], (B, T, J, D), dtype=jnp.float32)
    edge_index = jax.random.randint(k[1], (2, E), 0, J, dtype=jnp.int32)
    W = jax.random.normal(k[2], (D, H * C), dtype=jnp.float32) * (1.0 / np.sqrt(D))
    att_src = jax.random.normal(k[3], (1, H, C), dtype=jnp.float32) * 0.1
    att_dst = jax.random.normal(k[4], (1, H, C), dtype=jnp.float32) * 0.1
    bias = jnp.zeros((H * C,), dtype=jnp.float32)
    return {"x": x, "edge_index": edge_index, "W": W, "att_src": att_src, "att_dst": att_dst, "bias": bias}

def reference(x, edge_index, W, att_src, att_dst, bias):
    b, t, j, d = x.shape
    N = b * t * j
    BT = b * t
    Eper = edge_index.shape[1]
    x_flat = x.reshape(N, d)
    # replicate the per-graph edge_index across all B*T graphs with node offsets
    offsets = jnp.repeat(jnp.arange(BT, dtype=jnp.int32), Eper) * j
    rep_ei = jnp.tile(edge_index, (1, BT)) + offsets[None, :]
    # GATConv default add_self_loops=True
    loop = jnp.arange(N, dtype=jnp.int32)
    src = jnp.concatenate([rep_ei[0], loop])
    dst = jnp.concatenate([rep_ei[1], loop])
    heads = att_src.shape[1]
    ch = att_src.shape[2]
    h = (x_flat @ W).reshape(N, heads, ch)
    a_src = (h * att_src).sum(-1)  # [N, H]
    a_dst = (h * att_dst).sum(-1)  # [N, H]
    alpha = a_src[src] + a_dst[dst]  # [Etot, H]
    alpha = jax.nn.leaky_relu(alpha, negative_slope=0.2)
    amax = jax.ops.segment_max(alpha, dst, num_segments=N)
    alpha = jnp.exp(alpha - amax[dst])
    denom = jax.ops.segment_sum(alpha, dst, num_segments=N)
    alpha = alpha / (denom[dst] + 1e-16)
    msg = h[src] * alpha[..., None]  # [Etot, H, C]
    out = jax.ops.segment_sum(msg, dst, num_segments=N)
    out = out.reshape(N, heads * ch) + bias
    return out.reshape(b, t, j, heads * ch)

if __name__ == "__main__":
    import jax
    _d = setup_inputs()
    print(jax.jit(kernel)(*tuple(_d.values())))

</pallas_src>

<mosaic_0001>
module attributes {stable_mosaic.version = 14 : i64} {
  func.func @_gat_kernel(%arg0: i32, %arg1: memref<20x25x128xf32, #tpu.memory_space<vmem>>, %arg2: memref<500x2048xf32, #tpu.memory_space<vmem>>, %arg3: memref<128x128xf32, #tpu.memory_space<vmem>>, %arg4: memref<128x8xf32, #tpu.memory_space<vmem>>, %arg5: memref<1x128xf32, #tpu.memory_space<vmem>>, %arg6: memref<20x25x128xf32, #tpu.memory_space<vmem>>) attributes {dimension_semantics = [#tpu.dimension_semantics<arbitrary>], iteration_bounds = array<i64: 320>, scalar_prefetch = 0 : i64, scratch_operands = 0 : i64, tpu.core_type = #tpu.core_type<tc>, window_params = [{transform_indices = @transform_0, window_bounds = array<i64: 20, 25, 128>}, {pipeline_mode = #tpu.pipeline_mode<synchronous>, transform_indices = @transform_1, window_bounds = array<i64: 500, 2048>}, {pipeline_mode = #tpu.pipeline_mode<synchronous>, transform_indices = @transform_2, window_bounds = array<i64: 128, 128>}, {pipeline_mode = #tpu.pipeline_mode<synchronous>, transform_indices = @transform_3, window_bounds = array<i64: 128, 8>}, {pipeline_mode = #tpu.pipeline_mode<synchronous>, transform_indices = @transform_4, window_bounds = array<i64: 1, 128>}, {transform_indices = @transform_5, window_bounds = array<i64: 20, 25, 128>}]} {
    %get3A = arith.constant 0 : index
    %get3A_0 = arith.constant 0 : index
    %get3A_1 = arith.constant 0 : index
    %get3A_2 = vector.load %arg1[%get3A, %get3A_0, %get3A_1] : memref<20x25x128xf32, #tpu.memory_space<vmem>>, vector<20x25x128xf32>
    %reshape3A = vector.shape_cast %get3A_2 : vector<20x25x128xf32> to vector<500x128xf32>
    %get3A_3 = arith.constant 0 : index
    %get3A_4 = arith.constant 0 : index
    %get3A_5 = vector.load %arg3[%get3A_3, %get3A_4] : memref<128x128xf32, #tpu.memory_space<vmem>>, vector<128x128xf32>
    %dot_general3A = arith.constant dense<0.000000e+00> : vector<500x128xf32>
    %dot_general3A_6 = tpu.matmul %reshape3A, %get3A_5, %dot_general3A {dimension_numbers = #tpu.dot_dimension_numbers<[1], [0], [0], [1], [0, 0, 1, 1], [], []>, transpose_lhs_hint = false} : vector<500x128xf32>, vector<128x128xf32>, vector<500x128xf32> -> vector<500x128xf32>
    %get3A_7 = arith.constant 0 : index
    %get3A_8 = arith.constant 0 : index
    %get3A_9 = vector.load %arg4[%get3A_7, %get3A_8] : memref<128x8xf32, #tpu.memory_space<vmem>>, vector<128x8xf32>
    %dot_general3A_10 = arith.constant dense<0.000000e+00> : vector<500x8xf32>
    %dot_general3A_11 = tpu.matmul %dot_general3A_6, %get3A_9, %dot_general3A_10 {dimension_numbers = #tpu.dot_dimension_numbers<[1], [0], [0], [1], [0, 0, 1, 1], [], []>, transpose_lhs_hint = false} : vector<500x128xf32>, vector<128x8xf32>, vector<500x8xf32> -> vector<500x8xf32>
    %mul3A = arith.constant 1.44269502 : f32
    %mul3A_12 = vector.broadcast %mul3A : f32 to vector<500x8xf32>
    %mul3A_13 = arith.mulf %dot_general3A_11, %mul3A_12 : vector<500x8xf32>
    %mul3A_14 = arith.constant 0.288539022 : f32
    %mul3A_15 = vector.broadcast %mul3A_14 : f32 to vector<500x8xf32>
    %mul3A_16 = arith.mulf %dot_general3A_11, %mul3A_15 : vector<500x8xf32>
    %jit3A = arith.constant 0 : i32
    %convert_element_type3A = arith.sitofp %jit3A : i32 to f32
    %pad3A = vector.broadcast %convert_element_type3A : f32 to vector<12x8xf32>
    %pad3A_17 = tpu.concatenate %mul3A_13, %pad3A in 0 : vector<500x8xf32>, vector<12x8xf32> -> vector<512x8xf32>
    %jit3A_18 = arith.constant 0 : i32
    %convert_element_type3A_19 = arith.sitofp %jit3A_18 : i32 to f32
    %pad3A_20 = vector.broadcast %convert_element_type3A_19 : f32 to vector<12x8xf32>
    %pad3A_21 = tpu.concatenate %mul3A_16, %pad3A_20 in 0 : vector<500x8xf32>, vector<12x8xf32> -> vector<512x8xf32>
    %broadcast_in_dim3A = arith.constant 1.000000e+00 : f32
    %broadcast_in_dim3A_22 = vector.broadcast %broadcast_in_dim3A : f32 to vector<500x1xf32>
    %broadcast_in_dim3A_23 = arith.constant 1.000000e+00 : f32
    %broadcast_in_dim3A_24 = vector.broadcast %broadcast_in_dim3A_23 : f32 to vector<512x1xf32>
    %slice3A = vector.extract_strided_slice %mul3A_13 {offsets = [0, 4], sizes = [500, 1], strides = [1, 1]} : vector<500x8xf32> to vector<500x1xf32>
    %concatenate3A = tpu.concatenate %slice3A, %broadcast_in_dim3A_22 in 1 : vector<500x1xf32>, vector<500x1xf32> -> vector<500x2xf32>
    %slice3A_25 = vector.extract_strided_slice %pad3A_17 {offsets = [0, 0], sizes = [512, 1], strides = [1, 1]} : vector<512x8xf32> to vector<512x1xf32>
    %concatenate3A_26 = tpu.concatenate %broadcast_in_dim3A_24, %slice3A_25 in 1 : vector<512x1xf32>, vector<512x1xf32> -> vector<512x2xf32>
    %dot_general3A_27 = arith.constant dense<0.000000e+00> : vector<500x512xf32>
    %dot_general3A_28 = tpu.matmul %concatenate3A, %concatenate3A_26, %dot_general3A_27 {dimension_numbers = #tpu.dot_dimension_numbers<[1], [1], [0], [0], [0, 0, 1, 0], [], []>, transpose_lhs_hint = false} : vector<500x2xf32>, vector<512x2xf32>, vector<500x512xf32> -> vector<500x512xf32>
    %slice3A_29 = vector.extract_strided_slice %mul3A_16 {offsets = [0, 4], sizes = [500, 1], strides = [1, 1]} : vector<500x8xf32> to vector<500x1xf32>
    %concatenate3A_30 = tpu.concatenate %slice3A_29, %broadcast_in_dim3A_22 in 1 : vector<500x1xf32>, vector<500x1xf32> -> vector<500x2xf32>
    %slice3A_31 = vector.extract_strided_slice %pad3A_21 {offsets = [0, 0], sizes = [512, 1], strides = [1, 1]} : vector<512x8xf32> to vector<512x1xf32>
    %concatenate3A_32 = tpu.concatenate %broadcast_in_dim3A_24, %slice3A_31 in 1 : vector<512x1xf32>, vector<512x1xf32> -> vector<512x2xf32>
    %dot_general3A_33 = arith.constant dense<0.000000e+00> : vector<500x512xf32>
    %dot_general3A_34 = tpu.matmul %concatenate3A_30, %concatenate3A_32, %dot_general3A_33 {dimension_numbers = #tpu.dot_dimension_numbers<[1], [1], [0], [0], [0, 0, 1, 0], [], []>, transpose_lhs_hint = false} : vector<500x2xf32>, vector<512x2xf32>, vector<500x512xf32> -> vector<500x512xf32>
    %max3A = arith.maximumf %dot_general3A_28, %dot_general3A_34 : vector<500x512xf32>
    %exp23A = math.exp2 %max3A : vector<500x512xf32>
    %get3A_35 = arith.constant 0 : index
    %get3A_36 = arith.constant 0 : index
    %get3A_37 = vector.load %arg2[%get3A_35, %get3A_36] : memref<500x2048xf32, #tpu.memory_space<vmem>>, vector<500x512xf32>
    %mul3A_38 = arith.mulf %exp23A, %get3A_37 : vector<500x512xf32>
    %reduce_sum3A = arith.constant dense<0.000000e+00> : vector<500xf32>
    %reduce_sum3A_39 = vector.multi_reduction <add>, %mul3A_38, %reduce_sum3A [1] : vector<500x512xf32> to vector<500xf32>
    %broadcast_in_dim3A_40 = vector.shape_cast %reduce_sum3A_39 : vector<500xf32> to vector<500x1xf32>
    %slice3A_41 = vector.extract_strided_slice %mul3A_38 {offsets = [0, 0], sizes = [500, 500], strides = [1, 1]} : vector<500x512xf32> to vector<500x500xf32>
    %slice3A_42 = vector.extract_strided_slice %dot_general3A_6 {offsets = [0, 0], sizes = [500, 32], strides = [1, 1]} : vector<500x128xf32> to vector<500x32xf32>
    %dot_general3A_43 = arith.constant dense<0.000000e+00> : vector<500x32xf32>
    %dot_general3A_44 = tpu.matmul %slice3A_41, %slice3A_42, %dot_general3A_43 {dimension_numbers = #tpu.dot_dimension_numbers<[1], [0], [0], [1], [0, 0, 1, 1], [], []>, transpose_lhs_hint = false} : vector<500x500xf32>, vector<500x32xf32>, vector<500x32xf32> -> vector<500x32xf32>
    %add3A = arith.constant 1.000000e-16 : f32
    %add3A_45 = vector.broadcast %add3A : f32 to vector<500x1xf32>
    %add3A_46 = arith.addf %broadcast_in_dim3A_40, %add3A_45 : vector<500x1xf32>
    %div3A = vector.broadcast %add3A_46 : vector<500x1xf32> to vector<500x32xf32>
    %div3A_47 = arith.divf %dot_general3A_44, %div3A : vector<500x32xf32>
    %slice3A_48 = vector.extract_strided_slice %mul3A_13 {offsets = [0, 5], sizes = [500, 1], strides = [1, 1]} : vector<500x8xf32> to vector<500x1xf32>
    %concatenate3A_49 = tpu.concatenate %slice3A_48, %broadcast_in_dim3A_22 in 1 : vector<500x1xf32>, vector<500x1xf32> -> vector<500x2xf32>
    %slice3A_50 = vector.extract_strided_slice %pad3A_17 {offsets = [0, 1], sizes = [512, 1], strides = [1, 1]} : vector<512x8xf32> to vector<512x1xf32>
    %concatenate3A_51 = tpu.concatenate %broadcast_in_dim3A_24, %slice3A_50 in 1 : vector<512x1xf32>, vector<512x1xf32> -> vector<512x2xf32>
    %dot_general3A_52 = arith.constant dense<0.000000e+00> : vector<500x512xf32>
    %dot_general3A_53 = tpu.matmul %concatenate3A_49, %concatenate3A_51, %dot_general3A_52 {dimension_numbers = #tpu.dot_dimension_numbers<[1], [1], [0], [0], [0, 0, 1, 0], [], []>, transpose_lhs_hint = false} : vector<500x2xf32>, vector<512x2xf32>, vector<500x512xf32> -> vector<500x512xf32>
    %slice3A_54 = vector.extract_strided_slice %mul3A_16 {offsets = [0, 5], sizes = [500, 1], strides = [1, 1]} : vector<500x8xf32> to vector<500x1xf32>
    %concatenate3A_55 = tpu.concatenate %slice3A_54, %broadcast_in_dim3A_22 in 1 : vector<500x1xf32>, vector<500x1xf32> -> vector<500x2xf32>
    %slice3A_56 = vector.extract_strided_slice %pad3A_21 {offsets = [0, 1], sizes = [512, 1], strides = [1, 1]} : vector<512x8xf32> to vector<512x1xf32>
    %concatenate3A_57 = tpu.concatenate %broadcast_in_dim3A_24, %slice3A_56 in 1 : vector<512x1xf32>, vector<512x1xf32> -> vector<512x2xf32>
    %dot_general3A_58 = arith.constant dense<0.000000e+00> : vector<500x512xf32>
    %dot_general3A_59 = tpu.matmul %concatenate3A_55, %concatenate3A_57, %dot_general3A_58 {dimension_numbers = #tpu.dot_dimension_numbers<[1], [1], [0], [0], [0, 0, 1, 0], [], []>, transpose_lhs_hint = false} : vector<500x2xf32>, vector<512x2xf32>, vector<500x512xf32> -> vector<500x512xf32>
    %max3A_60 = arith.maximumf %dot_general3A_53, %dot_general3A_59 : vector<500x512xf32>
    %exp23A_61 = math.exp2 %max3A_60 : vector<500x512xf32>
    %get3A_62 = arith.constant 0 : index
    %get3A_63 = arith.constant 512 : index
    %get3A_64 = vector.load %arg2[%get3A_62, %get3A_63] : memref<500x2048xf32, #tpu.memory_space<vmem>>, vector<500x512xf32>
    %mul3A_65 = arith.mulf %exp23A_61, %get3A_64 : vector<500x512xf32>
    %reduce_sum3A_66 = arith.constant dense<0.000000e+00> : vector<500xf32>
    %reduce_sum3A_67 = vector.multi_reduction <add>, %mul3A_65, %reduce_sum3A_66 [1] : vector<500x512xf32> to vector<500xf32>
    %broadcast_in_dim3A_68 = vector.shape_cast %reduce_sum3A_67 : vector<500xf32> to vector<500x1xf32>
    %slice3A_69 = vector.extract_strided_slice %mul3A_65 {offsets = [0, 0], sizes = [500, 500], strides = [1, 1]} : vector<500x512xf32> to vector<500x500xf32>
    %slice3A_70 = vector.extract_strided_slice %dot_general3A_6 {offsets = [0, 32], sizes = [500, 32], strides = [1, 1]} : vector<500x128xf32> to vector<500x32xf32>
    %dot_general3A_71 = arith.constant dense<0.000000e+00> : vector<500x32xf32>
    %dot_general3A_72 = tpu.matmul %slice3A_69, %slice3A_70, %dot_general3A_71 {dimension_numbers = #tpu.dot_dimension_numbers<[1], [0], [0], [1], [0, 0, 1, 1], [], []>, transpose_lhs_hint = false} : vector<500x500xf32>, vector<500x32xf32>, vector<500x32xf32> -> vector<500x32xf32>
    %add3A_73 = arith.constant 1.000000e-16 : f32
    %add3A_74 = vector.broadcast %add3A_73 : f32 to vector<500x1xf32>
    %add3A_75 = arith.addf %broadcast_in_dim3A_68, %add3A_74 : vector<500x1xf32>
    %div3A_76 = vector.broadcast %add3A_75 : vector<500x1xf32> to vector<500x32xf32>
    %div3A_77 = arith.divf %dot_general3A_72, %div3A_76 : vector<500x32xf32>
    %slice3A_78 = vector.extract_strided_slice %mul3A_13 {offsets = [0, 6], sizes = [500, 1], strides = [1, 1]} : vector<500x8xf32> to vector<500x1xf32>
    %concatenate3A_79 = tpu.concatenate %slice3A_78, %broadcast_in_dim3A_22 in 1 : vector<500x1xf32>, vector<500x1xf32> -> vector<500x2xf32>
    %slice3A_80 = vector.extract_strided_slice %pad3A_17 {offsets = [0, 2], sizes = [512, 1], strides = [1, 1]} : vector<512x8xf32> to vector<512x1xf32>
    %concatenate3A_81 = tpu.concatenate %broadcast_in_dim3A_24, %slice3A_80 in 1 : vector<512x1xf32>, vector<512x1xf32> -> vector<512x2xf32>
    %dot_general3A_82 = arith.constant dense<0.000000e+00> : vector<500x512xf32>
    %dot_general3A_83 = tpu.matmul %concatenate3A_79, %concatenate3A_81, %dot_general3A_82 {dimension_numbers = #tpu.dot_dimension_numbers<[1], [1], [0], [0], [0, 0, 1, 0], [], []>, transpose_lhs_hint = false} : vector<500x2xf32>, vector<512x2xf32>, vector<500x512xf32> -> vector<500x512xf32>
    %slice3A_84 = vector.extract_strided_slice %mul3A_16 {offsets = [0, 6], sizes = [500, 1], strides = [1, 1]} : vector<500x8xf32> to vector<500x1xf32>
    %concatenate3A_85 = tpu.concatenate %slice3A_84, %broadcast_in_dim3A_22 in 1 : vector<500x1xf32>, vector<500x1xf32> -> vector<500x2xf32>
    %slice3A_86 = vector.extract_strided_slice %pad3A_21 {offsets = [0, 2], sizes = [512, 1], strides = [1, 1]} : vector<512x8xf32> to vector<512x1xf32>
    %concatenate3A_87 = tpu.concatenate %broadcast_in_dim3A_24, %slice3A_86 in 1 : vector<512x1xf32>, vector<512x1xf32> -> vector<512x2xf32>
    %dot_general3A_88 = arith.constant dense<0.000000e+00> : vector<500x512xf32>
    %dot_general3A_89 = tpu.matmul %concatenate3A_85, %concatenate3A_87, %dot_general3A_88 {dimension_numbers = #tpu.dot_dimension_numbers<[1], [1], [0], [0], [0, 0, 1, 0], [], []>, transpose_lhs_hint = false} : vector<500x2xf32>, vector<512x2xf32>, vector<500x512xf32> -> vector<500x512xf32>
    %max3A_90 = arith.maximumf %dot_general3A_83, %dot_general3A_89 : vector<500x512xf32>
    %exp23A_91 = math.exp2 %max3A_90 : vector<500x512xf32>
    %get3A_92 = arith.constant 0 : index
    %get3A_93 = arith.constant 1024 : index
    %get3A_94 = vector.load %arg2[%get3A_92, %get3A_93] : memref<500x2048xf32, #tpu.memory_space<vmem>>, vector<500x512xf32>
    %mul3A_95 = arith.mulf %exp23A_91, %get3A_94 : vector<500x512xf32>
    %reduce_sum3A_96 = arith.constant dense<0.000000e+00> : vector<500xf32>
    %reduce_sum3A_97 = vector.multi_reduction <add>, %mul3A_95, %reduce_sum3A_96 [1] : vector<500x512xf32> to vector<500xf32>
    %broadcast_in_dim3A_98 = vector.shape_cast %reduce_sum3A_97 : vector<500xf32> to vector<500x1xf32>
    %slice3A_99 = vector.extract_strided_slice %mul3A_95 {offsets = [0, 0], sizes = [500, 500], strides = [1, 1]} : vector<500x512xf32> to vector<500x500xf32>
    %slice3A_100 = vector.extract_strided_slice %dot_general3A_6 {offsets = [0, 64], sizes = [500, 32], strides = [1, 1]} : vector<500x128xf32> to vector<500x32xf32>
    %dot_general3A_101 = arith.constant dense<0.000000e+00> : vector<500x32xf32>
    %dot_general3A_102 = tpu.matmul %slice3A_99, %slice3A_100, %dot_general3A_101 {dimension_numbers = #tpu.dot_dimension_numbers<[1], [0], [0], [1], [0, 0, 1, 1], [], []>, transpose_lhs_hint = false} : vector<500x500xf32>, vector<500x32xf32>, vector<500x32xf32> -> vector<500x32xf32>
    %add3A_103 = arith.constant 1.000000e-16 : f32
    %add3A_104 = vector.broadcast %add3A_103 : f32 to vector<500x1xf32>
    %add3A_105 = arith.addf %broadcast_in_dim3A_98, %add3A_104 : vector<500x1xf32>
    %div3A_106 = vector.broadcast %add3A_105 : vector<500x1xf32> to vector<500x32xf32>
    %div3A_107 = arith.divf %dot_general3A_102, %div3A_106 : vector<500x32xf32>
    %slice3A_108 = vector.extract_strided_slice %mul3A_13 {offsets = [0, 7], sizes = [500, 1], strides = [1, 1]} : vector<500x8xf32> to vector<500x1xf32>
    %concatenate3A_109 = tpu.concatenate %slice3A_108, %broadcast_in_dim3A_22 in 1 : vector<500x1xf32>, vector<500x1xf32> -> vector<500x2xf32>
    %slice3A_110 = vector.extract_strided_slice %pad3A_17 {offsets = [0, 3], sizes = [512, 1], strides = [1, 1]} : vector<512x8xf32> to vector<512x1xf32>
    %concatenate3A_111 = tpu.concatenate %broadcast_in_dim3A_24, %slice3A_110 in 1 : vector<512x1xf32>, vector<512x1xf32> -> vector<512x2xf32>
    %dot_general3A_112 = arith.constant dense<0.000000e+00> : vector<500x512xf32>
    %dot_general3A_113 = tpu.matmul %concatenate3A_109, %concatenate3A_111, %dot_general3A_112 {dimension_numbers = #tpu.dot_dimension_numbers<[1], [1], [0], [0], [0, 0, 1, 0], [], []>, transpose_lhs_hint = false} : vector<500x2xf32>, vector<512x2xf32>, vector<500x512xf32> -> vector<500x512xf32>
    %slice3A_114 = vector.extract_strided_slice %mul3A_16 {offsets = [0, 7], sizes = [500, 1], strides = [1, 1]} : vector<500x8xf32> to vector<500x1xf32>
    %concatenate3A_115 = tpu.concatenate %slice3A_114, %broadcast_in_dim3A_22 in 1 : vector<500x1xf32>, vector<500x1xf32> -> vector<500x2xf32>
    %slice3A_116 = vector.extract_strided_slice %pad3A_21 {offsets = [0, 3], sizes = [512, 1], strides = [1, 1]} : vector<512x8xf32> to vector<512x1xf32>
    %concatenate3A_117 = tpu.concatenate %broadcast_in_dim3A_24, %slice3A_116 in 1 : vector<512x1xf32>, vector<512x1xf32> -> vector<512x2xf32>
    %dot_general3A_118 = arith.constant dense<0.000000e+00> : vector<500x512xf32>
    %dot_general3A_119 = tpu.matmul %concatenate3A_115, %concatenate3A_117, %dot_general3A_118 {dimension_numbers = #tpu.dot_dimension_numbers<[1], [1], [0], [0], [0, 0, 1, 0], [], []>, transpose_lhs_hint = false} : vector<500x2xf32>, vector<512x2xf32>, vector<500x512xf32> -> vector<500x512xf32>
    %max3A_120 = arith.maximumf %dot_general3A_113, %dot_general3A_119 : vector<500x512xf32>
    %exp23A_121 = math.exp2 %max3A_120 : vector<500x512xf32>
    %get3A_122 = arith.constant 0 : index
    %get3A_123 = arith.constant 1536 : index
    %get3A_124 = vector.load %arg2[%get3A_122, %get3A_123] : memref<500x2048xf32, #tpu.memory_space<vmem>>, vector<500x512xf32>
    %mul3A_125 = arith.mulf %exp23A_121, %get3A_124 : vector<500x512xf32>
    %reduce_sum3A_126 = arith.constant dense<0.000000e+00> : vector<500xf32>
    %reduce_sum3A_127 = vector.multi_reduction <add>, %mul3A_125, %reduce_sum3A_126 [1] : vector<500x512xf32> to vector<500xf32>
    %broadcast_in_dim3A_128 = vector.shape_cast %reduce_sum3A_127 : vector<500xf32> to vector<500x1xf32>
    %slice3A_129 = vector.extract_strided_slice %mul3A_125 {offsets = [0, 0], sizes = [500, 500], strides = [1, 1]} : vector<500x512xf32> to vector<500x500xf32>
    %slice3A_130 = vector.extract_strided_slice %dot_general3A_6 {offsets = [0, 96], sizes = [500, 32], strides = [1, 1]} : vector<500x128xf32> to vector<500x32xf32>
    %dot_general3A_131 = arith.constant dense<0.000000e+00> : vector<500x32xf32>
    %dot_general3A_132 = tpu.matmul %slice3A_129, %slice3A_130, %dot_general3A_131 {dimension_numbers = #tpu.dot_dimension_numbers<[1], [0], [0], [1], [0, 0, 1, 1], [], []>, transpose_lhs_hint = false} : vector<500x500xf32>, vector<500x32xf32>, vector<500x32xf32> -> vector<500x32xf32>
    %add3A_133 = arith.constant 1.000000e-16 : f32
    %add3A_134 = vector.broadcast %add3A_133 : f32 to vector<500x1xf32>
    %add3A_135 = arith.addf %broadcast_in_dim3A_128, %add3A_134 : vector<500x1xf32>
    %div3A_136 = vector.broadcast %add3A_135 : vector<500x1xf32> to vector<500x32xf32>
    %div3A_137 = arith.divf %dot_general3A_132, %div3A_136 : vector<500x32xf32>
    %concatenate3A_138 = tpu.concatenate %div3A_47, %div3A_77, %div3A_107, %div3A_137 in 1 : vector<500x32xf32>, vector<500x32xf32>, vector<500x32xf32>, vector<500x32xf32> -> vector<500x128xf32>
    %get3A_139 = arith.constant 0 : index
    %get3A_140 = arith.constant 0 : index
    %get3A_141 = vector.load %arg5[%get3A_139, %get3A_140] : memref<1x128xf32, #tpu.memory_space<vmem>>, vector<1x128xf32>
    %add3A_142 = vector.broadcast %get3A_141 : vector<1x128xf32> to vector<500x128xf32>
    %add3A_143 = arith.addf %concatenate3A_138, %add3A_142 : vector<500x128xf32>
    %reshape3A_144 = vector.shape_cast %add3A_143 : vector<500x128xf32> to vector<20x25x128xf32>
    %swap3A = arith.constant 0 : index
    %swap3A_145 = arith.constant 0 : index
    %swap3A_146 = arith.constant 0 : index
    %swap3A_147 = vector.load %arg6[%swap3A, %swap3A_145, %swap3A_146] : memref<20x25x128xf32, #tpu.memory_space<vmem>>, vector<20x25x128xf32>
    tpu.vector_store %arg6[%swap3A, %swap3A_145, %swap3A_146], %reshape3A_144 {strides = array<i32>} : memref<20x25x128xf32, #tpu.memory_space<vmem>>, vector<20x25x128xf32>,
    return
  }
  func.func @transform_0(%arg0: i32) -> (i32, i32, i32) {
    %c0_i32 = arith.constant 0 : i32
    %c0_i32_0 = arith.constant 0 : i32
    %c0_i32_1 = arith.constant 0 : i32
    return %arg0, %c0_i32, %c0_i32_0 : i32, i32, i32
  }
  func.func @transform_1(%arg0: i32) -> (i32, i32) {
    %c0_i32 = arith.constant 0 : i32
    %c0_i32_0 = arith.constant 0 : i32
    %c0_i32_1 = arith.constant 0 : i32
    return %c0_i32, %c0_i32_0 : i32, i32
  }
  func.func @transform_2(%arg0: i32) -> (i32, i32) {
    %c0_i32 = arith.constant 0 : i32
    %c0_i32_0 = arith.constant 0 : i32
    %c0_i32_1 = arith.constant 0 : i32
    return %c0_i32, %c0_i32_0 : i32, i32
  }
  func.func @transform_3(%arg0: i32) -> (i32, i32) {
    %c0_i32 = arith.constant 0 : i32
    %c0_i32_0 = arith.constant 0 : i32
    %c0_i32_1 = arith.constant 0 : i32
    return %c0_i32, %c0_i32_0 : i32, i32
  }
  func.func @transform_4(%arg0: i32) -> (i32, i32) {
    %c0_i32 = arith.constant 0 : i32
    %c0_i32_0 = arith.constant 0 : i32
    %c0_i32_1 = arith.constant 0 : i32
    return %c0_i32, %c0_i32_0 : i32, i32
  }
  func.func @transform_5(%arg0: i32) -> (i32, i32, i32) {
    %c0_i32 = arith.constant 0 : i32
    %c0_i32_0 = arith.constant 0 : i32
    %c0_i32_1 = arith.constant 0 : i32
    return %arg0, %c0_i32, %c0_i32_0 : i32, i32, i32
  }
}

module attributes {stable_mosaic.version = 14 : i64} {
  func.func @_abig_kernel(%arg0: i32, %arg1: memref<2x50xi32, #tpu.memory_space<vmem>>, %arg2: memref<500x2048xf32, #tpu.memory_space<vmem>>) attributes {dimension_semantics = [#tpu.dimension_semantics<arbitrary>], iteration_bounds = array<i64: 1>, scalar_prefetch = 0 : i64, scratch_operands = 0 : i64, tpu.core_type = #tpu.core_type<tc>, window_params = [{pipeline_mode = #tpu.pipeline_mode<synchronous>, transform_indices = @transform_0, window_bounds = array<i64: 2, 50>}, {pipeline_mode = #tpu.pipeline_mode<synchronous>, transform_indices = @transform_1, window_bounds = array<i64: 500, 2048>}]} {
    %iota3A = tpu.iota {dimensions = array<i32: 0>} : vector<500x50xi32>
    %jit3A = arith.constant 25 : i32
    %eq3A = arith.constant 0 : i32
    %eq3A_0 = arith.cmpi eq, %jit3A, %eq3A : i32
    %jit3A_1 = arith.constant 1 : i32
    %select_n3A = arith.select %eq3A_0, %jit3A_1, %jit3A : i32
    %rem3A = vector.broadcast %select_n3A : i32 to vector<500x50xi32>
    %rem3A_2 = arith.remsi %iota3A, %rem3A : vector<500x50xi32>
    %ne3A = arith.constant 0 : i32
    %ne3A_3 = vector.broadcast %ne3A : i32 to vector<500x50xi32>
    %ne3A_4 = arith.cmpi ne, %rem3A_2, %ne3A_3 : vector<500x50xi32>
    %lt3A = arith.constant 0 : i32
    %lt3A_5 = vector.broadcast %lt3A : i32 to vector<500x50xi32>
    %lt3A_6 = arith.cmpi slt, %rem3A_2, %lt3A_5 : vector<500x50xi32>
    %lt3A_7 = arith.constant 0 : i32
    %lt3A_8 = arith.cmpi slt, %select_n3A, %lt3A_7 : i32
    %ne3A_9 = vector.broadcast %lt3A_8 : i1 to vector<500x50xi1>
    %ne3A_10 = vector.broadcast %ne3A_9 : vector<500x50xi1> to vector<500x50xi1>
    %ne3A_11 = arith.xori %lt3A_6, %ne3A_10 : vector<500x50xi1>
    %and3A = arith.andi %ne3A_11, %ne3A_4 : vector<500x50xi1>
    %add3A = vector.broadcast %select_n3A : i32 to vector<500x50xi32>
    %add3A_12 = arith.addi %rem3A_2, %add3A : vector<500x50xi32>
    %select_n3A_13 = arith.select %and3A, %add3A_12, %rem3A_2 : vector<500x50xi1>, vector<500x50xi32>
    %get3A = arith.constant 0 : index
    %get3A_14 = arith.constant 0 : index
    %get3A_15 = vector.load %arg1[%get3A, %get3A_14] : memref<2x50xi32, #tpu.memory_space<vmem>>, vector<1x50xi32>
    %get3A_16 = arith.constant 1 : index
    %get3A_17 = arith.constant 0 : index
    %get3A_18 = vector.load %arg1[%get3A_16, %get3A_17] : memref<2x50xi32, #tpu.memory_space<vmem>>, vector<1x50xi32>
    %eq3A_19 = vector.broadcast %get3A_15 : vector<1x50xi32> to vector<500x50xi32>
    %eq3A_20 = arith.cmpi eq, %select_n3A_13, %eq3A_19 : vector<500x50xi32>
    %convert_element_type3A = arith.extui %eq3A_20 : vector<500x50xi1> to vector<500x50xi32>
    %convert_element_type3A_21 = arith.sitofp %convert_element_type3A : vector<500x50xi32> to vector<500x50xf32>
    %eq3A_22 = vector.broadcast %get3A_18 : vector<1x50xi32> to vector<500x50xi32>
    %eq3A_23 = arith.cmpi eq, %select_n3A_13, %eq3A_22 : vector<500x50xi32>
    %convert_element_type3A_24 = arith.extui %eq3A_23 : vector<500x50xi1> to vector<500x50xi32>
    %convert_element_type3A_25 = arith.sitofp %convert_element_type3A_24 : vector<500x50xi32> to vector<500x50xf32>
    %dot_general3A = arith.constant dense<0.000000e+00> : vector<500x500xf32>
    %dot_general3A_26 = tpu.matmul %convert_element_type3A_25, %convert_element_type3A_21, %dot_general3A {dimension_numbers = #tpu.dot_dimension_numbers<[1], [1], [0], [0], [0, 0, 1, 0], [], []>, transpose_lhs_hint = false} : vector<500x50xf32>, vector<500x50xf32>, vector<500x500xf32> -> vector<500x500xf32>
    %iota3A_27 = tpu.iota {dimensions = array<i32: 0>} : vector<500x500xi32>
    %iota3A_28 = tpu.iota {dimensions = array<i32: 1>} : vector<500x500xi32>
    %jit3A_29 = arith.constant 25 : i32
    %div3A = vector.broadcast %jit3A_29 : i32 to vector<500x500xi32>
    %div3A_30 = arith.divsi %iota3A_27, %div3A : vector<500x500xi32>
    %sign3A = arith.constant 0 : i32
    %sign3A_31 = vector.broadcast %sign3A : i32 to vector<500x500xi32>
    %sign3A_32 = arith.cmpi sgt, %iota3A_27, %sign3A_31 : vector<500x500xi32>
    %sign3A_33 = arith.extui %sign3A_32 : vector<500x500xi1> to vector<500x500xi32>
    %sign3A_34 = arith.constant 0 : i32
    %sign3A_35 = vector.broadcast %sign3A_34 : i32 to vector<500x500xi32>
    %sign3A_36 = arith.cmpi slt, %iota3A_27, %sign3A_35 : vector<500x500xi32>
    %sign3A_37 = arith.extui %sign3A_36 : vector<500x500xi1> to vector<500x500xi32>
    %sign3A_38 = arith.subi %sign3A_33, %sign3A_37 : vector<500x500xi32>
    %sign3A_39 = arith.constant 0 : i32
    %sign3A_40 = arith.cmpi sgt, %jit3A_29, %sign3A_39 : i32
    %sign3A_41 = arith.extui %sign3A_40 : i1 to i32
    %sign3A_42 = arith.constant 0 : i32
    %sign3A_43 = arith.cmpi slt, %jit3A_29, %sign3A_42 : i32
    %sign3A_44 = arith.extui %sign3A_43 : i1 to i32
    %sign3A_45 = arith.subi %sign3A_41, %sign3A_44 : i32
    %ne3A_46 = vector.broadcast %sign3A_45 : i32 to vector<500x500xi32>
    %ne3A_47 = arith.cmpi ne, %sign3A_38, %ne3A_46 : vector<500x500xi32>
    %rem3A_48 = vector.broadcast %jit3A_29 : i32 to vector<500x500xi32>
    %rem3A_49 = arith.remsi %iota3A_27, %rem3A_48 : vector<500x500xi32>
    %ne3A_50 = arith.constant 0 : i32
    %ne3A_51 = vector.broadcast %ne3A_50 : i32 to vector<500x500xi32>
    %ne3A_52 = arith.cmpi ne, %rem3A_49, %ne3A_51 : vector<500x500xi32>
    %and3A_53 = arith.andi %ne3A_47, %ne3A_52 : vector<500x500xi1>
    %sub3A = arith.constant 1 : i32
    %sub3A_54 = vector.broadcast %sub3A : i32 to vector<500x500xi32>
    %sub3A_55 = arith.subi %div3A_30, %sub3A_54 : vector<500x500xi32>
    %select_n3A_56 = arith.select %and3A_53, %sub3A_55, %div3A_30 : vector<500x500xi1>, vector<500x500xi32>
    %jit3A_57 = arith.constant 25 : i32
    %div3A_58 = vector.broadcast %jit3A_57 : i32 to vector<500x500xi32>
    %div3A_59 = arith.divsi %iota3A_28, %div3A_58 : vector<500x500xi32>
    %sign3A_60 = arith.constant 0 : i32
    %sign3A_61 = vector.broadcast %sign3A_60 : i32 to vector<500x500xi32>
    %sign3A_62 = arith.cmpi sgt, %iota3A_28, %sign3A_61 : vector<500x500xi32>
    %sign3A_63 = arith.extui %sign3A_62 : vector<500x500xi1> to vector<500x500xi32>
    %sign3A_64 = arith.constant 0 : i32
    %sign3A_65 = vector.broadcast %sign3A_64 : i32 to vector<500x500xi32>
    %sign3A_66 = arith.cmpi slt, %iota3A_28, %sign3A_65 : vector<500x500xi32>
    %sign3A_67 = arith.extui %sign3A_66 : vector<500x500xi1> to vector<500x500xi32>
    %sign3A_68 = arith.subi %sign3A_63, %sign3A_67 : vector<500x500xi32>
    %sign3A_69 = arith.constant 0 : i32
    %sign3A_70 = arith.cmpi sgt, %jit3A_57, %sign3A_69 : i32
    %sign3A_71 = arith.extui %sign3A_70 : i1 to i32
    %sign3A_72 = arith.constant 0 : i32
    %sign3A_73 = arith.cmpi slt, %jit3A_57, %sign3A_72 : i32
    %sign3A_74 = arith.extui %sign3A_73 : i1 to i32
    %sign3A_75 = arith.subi %sign3A_71, %sign3A_74 : i32
    %ne3A_76 = vector.broadcast %sign3A_75 : i32 to vector<500x500xi32>
    %ne3A_77 = arith.cmpi ne, %sign3A_68, %ne3A_76 : vector<500x500xi32>
    %rem3A_78 = vector.broadcast %jit3A_57 : i32 to vector<500x500xi32>
    %rem3A_79 = arith.remsi %iota3A_28, %rem3A_78 : vector<500x500xi32>
    %ne3A_80 = arith.constant 0 : i32
    %ne3A_81 = vector.broadcast %ne3A_80 : i32 to vector<500x500xi32>
    %ne3A_82 = arith.cmpi ne, %rem3A_79, %ne3A_81 : vector<500x500xi32>
    %and3A_83 = arith.andi %ne3A_77, %ne3A_82 : vector<500x500xi1>
    %sub3A_84 = arith.constant 1 : i32
    %sub3A_85 = vector.broadcast %sub3A_84 : i32 to vector<500x500xi32>
    %sub3A_86 = arith.subi %div3A_59, %sub3A_85 : vector<500x500xi32>
    %select_n3A_87 = arith.select %and3A_83, %sub3A_86, %div3A_59 : vector<500x500xi1>, vector<500x500xi32>
    %eq3A_88 = arith.cmpi eq, %select_n3A_56, %select_n3A_87 : vector<500x500xi32>
    %jit3A_89 = arith.constant 0.000000e+00 : f32
    %broadcast_in_dim3A = vector.broadcast %jit3A_89 : f32 to vector<500x500xf32>
    %select_n3A_90 = arith.select %eq3A_88, %dot_general3A_26, %broadcast_in_dim3A : vector<500x500xi1>, vector<500x500xf32>
    %eq3A_91 = arith.cmpi eq, %iota3A_27, %iota3A_28 : vector<500x500xi32>
    %convert_element_type3A_92 = arith.extui %eq3A_91 : vector<500x500xi1> to vector<500x500xi32>
    %convert_element_type3A_93 = arith.sitofp %convert_element_type3A_92 : vector<500x500xi32> to vector<500x500xf32>
    %add3A_94 = arith.addf %select_n3A_90, %convert_element_type3A_93 : vector<500x500xf32>
    %jit3A_95 = arith.constant 0 : i32
    %convert_element_type3A_96 = arith.sitofp %jit3A_95 : i32 to f32
    %pad3A = vector.broadcast %convert_element_type3A_96 : f32 to vector<500x12xf32>
    %pad3A_97 = tpu.concatenate %add3A_94, %pad3A in 1 : vector<500x500xf32>, vector<500x12xf32> -> vector<500x512xf32>
    %concatenate3A = tpu.concatenate %pad3A_97, %pad3A_97, %pad3A_97, %pad3A_97 in 1 : vector<500x512xf32>, vector<500x512xf32>, vector<500x512xf32>, vector<500x512xf32> -> vector<500x2048xf32>
    %swap3A = arith.constant 0 : index
    %swap3A_98 = arith.constant 0 : index
    %swap3A_99 = vector.load %arg2[%swap3A, %swap3A_98] : memref<500x2048xf32, #tpu.memory_space<vmem>>, vector<500x2048xf32>
    tpu.vector_store %arg2[%swap3A, %swap3A_98], %concatenate3A {strides = array<i32>} : memref<500x2048xf32, #tpu.memory_space<vmem>>, vector<500x2048xf32>,
    return
  }
  func.func @transform_0(%arg0: i32) -> (i32, i32) {
    %c0_i32 = arith.constant 0 : i32
    %c0_i32_0 = arith.constant 0 : i32
    %c0_i32_1 = arith.constant 0 : i32
    return %c0_i32, %c0_i32_0 : i32, i32
  }
  func.func @transform_1(%arg0: i32) -> (i32, i32) {
    %c0_i32 = arith.constant 0 : i32
    %c0_i32_0 = arith.constant 0 : i32
    %c0_i32_1 = arith.constant 0 : i32
    return %c0_i32, %c0_i32_0 : i32, i32
  }
}

</mosaic_0001>

<sc_bundles>
// kernel: sparse-core-data-format-call.cloned.1.call-start
scs
called_computation_lowered:
.L_overlay_start_0:
0x0: {  	s2 =	sld [smem:$0x3FD9]  }
0x1: {  	s3 =	sld [smem:$0x3FFE];
	_ =	sdelay $0x1  }
0x2: {  	s1 =	srdreg.scid  }
0x3: {  	s0 =	sand.u32 $0x1, s1  }
0x4: {  	s18 =	sshll.u32 s0, $0xA;
	s2 =	sadd.s32 s3, s2  }
0x5: {  	s2 =	sadd.s32 s2, s18  }
0x6: {  	[smem:$0x3FC2] =	sst s2  }
0x7: {  	_ = 	snop  }
0x8: {  	s2 =	sld [smem:$0x3FD0];
	(tm) =	ssettm $0x1  }
0x9: {  	s19 =	sld [smem:$0x3FFB];
	_ =	sdelay $0x3  }
0xa: {  	_ =	strace s19  }
0xb: {  	s3 =	sld [smem:$0x3FFC];
	_ =	sdelay $0x3  }
0xc: {  	_ =	strace s3  }
0xd: {  	s3 =	sld [smem:$0x3FFD];
	_ =	sdelay $0x3  }
0xe: {  	_ =	strace s3  }
0xf: {  	_ =	strace $0x8FFFFFFF  }
0x10: {  	s20 =	sld [smem:$0x3FDB];
	_ =	sdelay $0x1  }
0x11: {  	s4 =	simm.s32 $_scs_section_size  }
0x12: {  	s5 =	simm.s32 $_size__tile_overlayer_lowered;
	s6 =	simm.s32 $_tile_overlayer_lowered  }
0x13: {  	s23 =	simm.s32 $0x1BFF;
	s22 =	sshll.u32 s6, $0x1;
	s3 =	sadd.s32 s4, s20  }
0x14: {  	s7 =	simm.s32 $0x0;
	s21 =	sshll.u32 s5, $0x1;
	s5 =	sadd.s32 s22, s3  }
0x15: {  	[timem:s7], [sflag:s23] =	dma.local [hbm:s5], s21  }
0x16: {  	_ =	swait.ge [sflag:s23], s21  }
0x17: {  	s4 =	ssub.s32 $0x0, s21;
	[sflag:s23] =	ssyncset.done $0x0  }
0x18: {  	[sflag:s23] =	ssyncadd.s32 s4;
	_ =	sdelay $0x1  }
0x19: {  	s24 =	simm.s32 $0x1B8B  }
0x1a: {  	_ =	swait.ge [sflag:s24], $0x1  }
0x1b: {  	[sflag:s24] =	ssyncset.done $0x0  }
0x1c: {  	s26 =	simm.s32 $0x1B8E;
	s25 =	sld [smem:$0x3FFE];
	[sflag:s24] =	ssyncadd.s32 $0xFFFFFFFF  }
0x1d: {  	s27 =	simm.s32 $execute0_lowered;
	[smem:$0x3FD2] =	sst s26  }
0x1e: {  	s5 =	sshll.u32 s27, $0x1;
	_ =	strace $0x80000046;
	[dreg:$0x1] =	wrdreg $0xFFFFFFFF  }
0x1f: {  	s28 =	simm.s32 $_size_execute0_lowered;
	s3 =	sadd.s32 s3, s5;
	[dreg:$0x0] =	wrdreg $0x0  }
0x20: {  	s5 =	sshll.u32 s28, $0x1;
	[dreg:$0x2] =	wrdreg s3  }
0x21: {  	[dreg:$0x3] =	wrdreg s5  }
0x22: {  	[dreg:$0x4] =	wrdreg $0xC0  }
0x23: {  	_ =	task [dreg:s7], $0x5FFFF  }
0x24: {  	[dreg:$0x1] =	wrdreg $0xFFFFFFFF  }
0x25: {  	[dreg:$0x0] =	wrdreg $0x60  }
0x26: {  	[dreg:$0x2] =	wrdreg s25  }
0x27: {  	[dreg:$0x3] =	wrdreg s2  }
0x28: {  	[dreg:$0x4] =	wrdreg $0x9  }
0x29: {  	_ =	task.clear_ibuf [dreg:s7], $0x5FFFF;
	_ =	strace $0x90000046  }
0x2a: {  	s29 =	simm.s32 $0x9;
	_ =	strace $0x80000048  }
0x2b: {  	_ =	swait.ge [sflag:s29], $0x1  }
0x2c: {  	[sflag:s29] =	ssyncadd.s32 $0xFFFFFFFF  }
0x2d: {  	_ =	strace $0x90000048  }
0x2e: {  	_ =	sfence  }
0x2f: {  	s30 =	sld [smem:$0x0];
	_ =	sdelay $0x2  }
0x30: {  	s31 =	sshll.u32 s1, $0xD;
	s1 =	sshrl.u32 s1, $0x2  }
0x31: {  	s3 =	sand.u32 $0x4000, s31;
	s1 =	sadd.s32 s1, s30  }
0x32: {  	s0 =	sor.u32 s3, s0;
	s1 =	sshll.u32 s1, $0x11  }
0x33: {  	s0 =	sor.u32 s1, s0  }
0x34: {  	s0 =	sadd.s32 $0x8F2B, s0  }
0x35: {  	[sflag:s0] =	ssyncadd.remote.s32 $0x1  }
0x36: {  	_ =	sfence.sel $0xFFFF  }
0x37: {  	[dreg:$0x0] =	wrdreg $0xFFFFFFFF;
	(pc) =	sbr.abs _section_cstart, $3  }
0x38: {  	[dreg:$0x1] =	wrdreg $0xFFFFFFFF  }
0x39: {  	_ =	task.clear_ibuf [dreg:s7], $0x2FFFF;
	_ =	strace $0x9FFFFFFF  }
0x3a: {  	(tm) =	ssettm $0x7FFFFFFF  }
0x3b: {  	_ =	shalt  }
tec
execute0_lowered:
.L_overlay_start_1:
0x0: {  	(tag) =	ssettag $0x1  }
0x1: {  	s1 =	srdreg.scid  }
0x2: {  	s0 =	stileid.u32;
	s7 =	rddreg [dreg:$0x0]  }
0x3: {  	s3 =	rddreg [dreg:$0x1];
	s31 =	simm.s32 $0x2;
	s17 =	simm.s32 $0x0  }
0x4: {  	s18 =	simm.s32 $0x0;
	s16 =	simm.s32 $0x0;
	s1 =	sshll.u32 s1, $0x4  }
0x5: {  	s10 =	simm.s32 $0x0;
	s11 =	simm.s32 $0x0;
	s1 =	sor.u32 s0, s1  }
0x6: {  	s13 =	simm.s32 $0x0;
	s14 =	simm.s32 $0x0;
	s2 =	sand.u32 $0x1E, s1  }
0x7: {  	s15 =	simm.s32 $0x0;
	s4 =	sand.u32 $0x1, s0;
	s5 =	ssub.s32 $0x19, s2  }
0x8: {  	s6 =	ssub.s32 $0x64, s4;
	s12 =	smov.u32 s4;
	p0 =	sgt.s32 s5, $0x0  }
0x9: {  	s1 =	rddreg [dreg:$0x2];
	s8 =	sshrl.u32 s6, $0x1;
	s5 =	simm.s32 @!p0 $0x0  }
.Ltmp0:
0xa: {  	s6 =	sand.u32 $0x1, s6;
	s5 =	sadd.s32 $0x1F, s5;
	(pc) =	sbr.rel .LBB1_1-.Ltmp0, $4  }
0xb: {  	_ =	strace $0x80000047;
	s6 =	sadd.s32 s6, s8;
	s30 =	sshrl.u32 s5, $0x5  }
0xc: {  	s9 =	sshll.u32 s2, $0x4;
	s5 =	simm.s32 $0x1;
	s6 =	smul.u32 s6, s30  }
0xd: {  	s7 =	sadd.s32 s9, s7;
	s9 =	simm.s32 $0x0;
	[sflag:s5] =	ssyncpa.u1 $0x0  }
0xe: {  	s7 =	sadd.s32 $0x320C00, s7;
	[sflag:s31] =	ssyncpa.u1 $0x0;
	s8 =	sadd.s32 $0x1, s6  }
.LBB1_7:
0xf: {  	p0 =	slt.u32 s15, $0x2;
	s19 =	smov.u32 s18  }
0x10: {  	s21 =	smov.u32 s14;
	p1 =	sgt.s32 @!p0 s18, $0x63;
	s20 =	sshra.s32 @!p0 s18, $0x1F  }
0x11: {  	p2 =	sgt.s32 @!p0 s17, $0x18;
	p1 =	por !p1, p0;
	s18 =	sand.u32 @!p0 s20, s18  }
0x12: {  	p2 =	por !p2, p0;
	s19 =	simm.s32 @p1 $0x63;
	p1 =	sgt.s32 @!p0 s17, $0x17  }
0x13: {  	s18 =	ssub.s32 @!p0 s19, s18;
	p1 =	por !p1, p0;
	s19 =	ssub.s32 @!p0 $0x0, s16  }
0x14: {  	s20 =	sadd.s32 @!p0 $0xFFFFFF9D, s18;
	s17 =	simm.s32 @p1 $0x17;
	s16 =	smin.u32 @!p0 s16, s19  }
0x15: {  	s18 =	ssub.s32 @!p0 $0x64, s18;
	p1 =	sgt.s32 @!p0 s16, $0x3F;
	s16 =	sshll.u32 @!p0 s16, $0x7  }
0x16: {  	s17 =	ssub.s32 @!p0 $0x19, s17;
	s16 =	ssub.s32 @!p0 $0x2000, s16;
	p1 =	por !p1, p0  }
0x17: {  	s17 =	simm.s32 @!p2 $0x0;
	p2 =	sgt.s32 @!p0 s20, $0x0;
	s16 =	simm.s32 @!p1 $0x0  }
0x18: {  	s19 =	sadd.s32 $0x2, s12;
	p1 =	por !p2, p0;
	s16 =	smul.u32 @!p0 s17, s16  }
0x19: {  	s18 =	simm.s32 @!p1 $0x0;
	p1 =	sgt.s32 s19, $0x63;
	s17 =	sadd.s32 $0x40, s14  }
0x1a: {  	s23 =	sadd.s32 $0x1, s15;
	s21 =	smov.u32 @p1 s17  }
0x1b: {  	s20 =	simm.s32 @!p0 $0x2;
	s19 =	smov.u32 @p1 s4;
	p1 =	sgt.s32 s21, $0x3F  }
0x1c: {  	s16 =	smul.u32 @!p0 s18, s16;
	s21 =	simm.s32 @p1 $0x0;
	p1 =	sne.s32 s15, s8  }
.Ltmp1:
0x1d: {  	s17 =	smov.u32 s10;
	s10 =	smov.u32 s2;
	(pc) =	sbr.rel @!p1 .LBB1_8-.Ltmp1, $4  }
0x1e: {  	s18 =	smov.u32 s11;
	s11 =	smov.u32 s12;
	s16 =	sand.u32 @!p0 $0x3FFFFF80, s16  }
0x1f: {  	s12 =	smov.u32 s19;
	s15 =	smov.u32 s23;
	_ =	swait.ge @!p0 [sflag:s20], s16  }
0x20: {  	s22 =	ssub.s32 @!p0 $0x0, s16;
	s16 =	smov.u32 s13;
	[sflag:s20] =	ssyncset.done @!p0 $0x0  }
0x21: {  	s13 =	smov.u32 s14;
	s14 =	smov.u32 s21;
	[sflag:s20] =	ssyncadd.s32 @!p0 s22  }
.LBB1_1:
0x22: {  	p0 =	sge.u32 s15, s6  }
0x23: {  	s20 =	smul.u32 @!p0 $0xC800, s14  }
0x24: {  	s31 =	sadd.s32 $0xFFFFFFFF, s15;
	s19 =	sxor.u32 @!p0 $0xFFFFFFFF, s15;
	s21 =	sshll.u32 @!p0 s12, $0x9  }
0x25: {  	s22 =	simm.s32 @!p0 $0x64000;
	s19 =	sshll.u32 @!p0 s19, $0xE;
	s20 =	sadd.s32 @!p0 s20, s7  }
0x26: {  	s19 =	sand.u32 @!p0 $0x4000, s19;
	s20 =	sadd.s32 @!p0 s21, s20;
	s21 =	simm.s32 @!p0 $0x100  }
0x27: {  	[tilespmem:s19], [sflag:$0x1] =	stream.strided.gather @!p0 [hbm4b:s20+s21], $0x4000, s22, s21, $0x38;
	[tilespmem:$0x10000] =	vst v63  }
0x28: {  	p0 =	sge.u32 s31, s6  }
.Ltmp2:
0x29: {  	_ = 	snop;
	(pc) =	sbr.rel @p0 .LBB1_7-.Ltmp2, $1  }
0x2a: {  	_ =	sdelay $0x3  }
0x2b: {  	_ =	swait.ge [sflag:s5], $0x4000;
	s19 =	sshll.u32 s15, $0xE  }
0x2c: {  	[sflag:s5] =	ssyncset.done $0x0;
	s20 =	sand.u32 $0x4000, s19  }
0x2d: {  	s21 =	simm.s32 $0x0;
	[sflag:s5] =	ssyncadd.s32 $0xFFFFC000;
	s19 =	sor.u32 $0x8000, s20  }
.LBB1_3:
0x2e: {  	s22 =	sshll.u32 s21, $0x8  }
0x2f: {  	s22 =	sand.u32 $0x3FFFFF00, s22  }
0x30: {  	s23 =	sshll.u32 s21, $0x7;
	s22 =	sadd.s32 s22, s20  }
0x31: {  	s23 =	sand.u32 $0x3FFFFF80, s23;
	v0 =	vmov s22  }
0x32: {  	s23 =	sadd.s32 s23, s19  }
0x33: {  	p0 =	por $0x1, $0x1;
	v1 =	vmov s23;
	s22 =	simm.s32 $0x0  }
.LBB1_4:
0x34: {  	s23 =	sshll.u32 s22, $0x7  }
0x35: {  	s23 =	sand.u32 $0x3FFFFF80, s23  }
0x36: {  	v2 =	vld.idx.msk [tilespmem:v0+s23+$0x0 ss:$0x1], $0xffff  }
0x37: {  	v3 =	vld.idx.msk [tilespmem:v0+s23+$0x10 ss:$0x1], $0xffff  }
0x38: {  	v4 =	vld.idx.msk [tilespmem:v0+s23+$0x20 ss:$0x1], $0xffff  }
0x39: {  	s31 =	sshll.u32 s22, $0xD;
	v5 =	vld.idx.msk [tilespmem:v0+s23+$0x30 ss:$0x1], $0xffff  }
0x3a: {  	s22 =	sand.u32 $0x3FFFE000, s31;
	v6 =	vld.idx.msk [tilespmem:v0+s23+$0x40 ss:$0x1], $0xffff  }
0x3b: {  	v63 =	vld.idx.msk [tilespmem:v0+s23+$0x70 ss:$0x1], $0xffff;
	[tilespmem:v1+s22+$0x0 ss:$0x1] =	vst.idx.msk $0xffff, v2  }
0x3c: {  	v2 =	vld.idx.msk [tilespmem:v0+s23+$0x50 ss:$0x1], $0xffff;
	[tilespmem:v1+s22+$0x10 ss:$0x1] =	vst.idx.msk $0xffff, v3  }
0x3d: {  	p1 =	por p0, p0;
	v3 =	vld.idx.msk [tilespmem:v0+s23+$0x60 ss:$0x1], $0xffff;
	[tilespmem:v1+s22+$0x20 ss:$0x1] =	vst.idx.msk $0xffff, v4  }
.Ltmp3:
0x3e: {  	[tilespmem:v1+s22+$0x30 ss:$0x1] =	vst.idx.msk $0xffff, v5;
	(pc) =	sbr.rel @p1 .LBB1_4-.Ltmp3, $4  }
0x3f: {  	[tilespmem:v1+s22+$0x40 ss:$0x1] =	vst.idx.msk $0xffff, v6  }
0x40: {  	[tilespmem:v1+s22+$0x70 ss:$0x1] =	vst.idx.msk $0xffff, v63  }
0x41: {  	[tilespmem:v1+s22+$0x50 ss:$0x1] =	vst.idx.msk $0xffff, v2  }
0x42: {  	p0 =	por $0x0, $0x0;
	[tilespmem:v1+s22+$0x60 ss:$0x1] =	vst.idx.msk $0xffff, v3;
	s22 =	simm.s32 $0x1  }
0x43: {  	s21 =	sadd.s32 $0x1, s21  }
0x44: {  	p0 =	sne.s32 s21, $0x40  }
.Ltmp4:
0x45: {  	_ = 	snop;
	(pc) =	sbr.rel @p0 .LBB1_3-.Ltmp4, $1  }
0x46: {  	_ =	sdelay $0x3  }
0x47: {  	p0 =	sgt.s32 s11, $0x63;
	s20 =	smov.u32 s11  }
0x48: {  	s21 =	sshra.s32 s11, $0x1F;
	s22 =	ssub.s32 $0x0, s13;
	s23 =	smov.u32 s10  }
0x49: {  	p1 =	sgt.u32 s10, $0x18;
	s28 =	smul.u32 $0x6400, s11;
	s20 =	simm.s32 @!p0 $0x63  }
0x4a: {  	s21 =	sand.u32 s21, s11;
	p0 =	sgt.s32 s10, $0x17;
	s22 =	smin.u32 s13, s22  }
0x4b: {  	s23 =	simm.s32 @!p0 $0x17;
	p0 =	sgt.s32 s22, $0x3F;
	s22 =	sshll.u32 s22, $0x7  }
0x4c: {  	s20 =	ssub.s32 s20, s21;
	s23 =	ssub.s32 $0x19, s23;
	s22 =	ssub.s32 $0x2000, s22  }
0x4d: {  	s21 =	sadd.s32 $0xFFFFFF9D, s20;
	s23 =	simm.s32 @p1 $0x0;
	s22 =	simm.s32 @p0 $0x0  }
0x4e: {  	s20 =	ssub.s32 $0x64, s20;
	p0 =	sgt.s32 s21, $0x0;
	s22 =	smul.u32 s23, s22  }
.Ltmp5:
0x4f: {  	s29 =	sshll.u32 s13, $0x4;
	s20 =	simm.s32 @p0 $0x0;
	(pc) =	sbr.rel .LBB1_7-.Ltmp5, $4  }
0x50: {  	s30 =	sand.u32 $0x3F0, s29;
	s21 =	sadd.s32 s3, s28;
	s20 =	smul.u32 s20, s22  }
0x51: {  	s31 =	sshll.u32 s10, $0xA;
	s21 =	sadd.s32 s30, s21  }
0x52: {  	s21 =	sadd.s32 s31, s21;
	s20 =	sand.u32 $0x3FFFFF80, s20  }
0x53: {  	[hbm4b:s21+s9] =	stream.linear.scatter [tilespmem:s19], [sflag:$0x2], s20, $0x38;
	[tilespmem:$0x10000] =	vst v63  }
.LBB1_8:
0x54: {  	_ =	sfence.sel $0x180000  }
0x55: {  	s2 =	simm.s32 $0x1;
	[bflag:$0x0] =	sbarrier.arrive $0xFFFF  }
0x56: {  	s31 =	simm.s32 $0x2;
	[sflag:s2] =	ssyncpa.u1 $0x1  }
0x57: {  	[sflag:s31] =	ssyncpa.u1 $0x1  }
0x58: {  	p0 =	sne.s32 s0, $0x0;
	_ =	strace $0x90000047  }
0x59: {  	s0 =	sadd.s32 @!p0 $0x100000, s1;
	[bflag:$0x2] =	sbarrier.arrive $0xFFFF  }
0x5a: {  	[sflag:s0] =	ssyncadd.tile.s32 @!p0 $0x1;
	_ =	shalt  }
.Lfunc_end1:
_tile_overlayer_lowered:
.L_overlay_start_2:
0x5b: {  	(tag) =	ssettag $0x2  }
0x5c: {  	s0 =	rddreg [dreg:$0x0];
	s2 =	stileid.u32  }
0x5d: {  	s1 =	rddreg [dreg:$0x1];
	p0 =	sne.s32 s2, $0x0  }
0x5e: {  	s3 =	rddreg [dreg:$0x2];
	[bflag:$0x3] =	sbarrier.arrive $0xFFFF;
	s2 =	simm.s32 @!p0 $0x1C01  }
0x5f: {  	[timem:s3], [sflag:s2] =	dma.local @!p0 [hbm:s0], s1  }
0x60: {  	s0 =	simm.s32 @!p0 $0x1  }
0x61: {  	_ =	swait.ge @!p0 [sflag:s0], s1  }
0x62: {  	s1 =	ssub.s32 @!p0 $0x0, s1;
	[sflag:s0] =	ssyncset.done @!p0 $0x0  }
0x63: {  	[sflag:s0] =	ssyncadd.s32 @!p0 s1  }
0x64: {  	[bflag:$0x3] =	sbarrier.arrive $0xFFFF  }
0x65: {  	_ =	shalt  }

</sc_bundles>
